<compile_context>
chip_gen: v7x
topology: tpu7x:2x2x1
jax: 0.10.2.dev20260603
libtpu: 0.0.44.dev20260713+nightly
codegen_flags: <defaults>
</compile_context>

<pallas_src>
import functools

import jax
import jax.numpy as jnp
from jax import lax
from jax.experimental import pallas as pl
from jax.experimental.pallas import tpu as pltpu
from jax.experimental.pallas import tpu_sc as plsc
from jax._src.pallas import mpmd
from jax._src.pallas.mosaic.core import MemorySpace as _MS

MAX_LEN = 8192
D_MODEL = 1024
NUM_CORES = 2
NUM_SUBCORES = 16
ROWS_PER_CORE = MAX_LEN // NUM_CORES

SCS_ROWS = 1536
SCS_CHUNK = 256
SCS_NCHUNK = SCS_ROWS // SCS_CHUNK

TEC_ROWS_PER_CORE = ROWS_PER_CORE - SCS_ROWS
TEC_ROWS = TEC_ROWS_PER_CORE // NUM_SUBCORES
TEC_CHUNK = 32
TEC_NCHUNK = TEC_ROWS // TEC_CHUNK

_scalar_mesh = plsc.ScalarSubcoreMesh(axis_name="c", num_cores=NUM_CORES)
_vector_mesh = plsc.VectorSubcoreMesh(core_axis_name="c", subcore_axis_name="s")


def _pipelined_copy(w_hbm, out_hbm, base, chunk, nchunk, bufs, sins, souts):

    def in_slice(c):
        return w_hbm.at[pl.ds(base + c * chunk, chunk)]

    def out_slice(c):
        return out_hbm.at[pl.ds(base + c * chunk, chunk)]

    hin = [None] * nchunk
    hout = [None] * nchunk
    hin[0] = pltpu.async_copy(in_slice(0), bufs[0], sins[0])
    for c in range(nchunk):
        if c + 1 < nchunk:
            b = (c + 1) % 2
            if c >= 1:
                hout[c - 1].wait()
            hin[c + 1] = pltpu.async_copy(in_slice(c + 1), bufs[b], sins[b])
        hin[c].wait()
        hout[c] = pltpu.async_copy(bufs[c % 2], out_slice(c), souts[c % 2])
    if nchunk >= 2:
        hout[nchunk - 2].wait()
    hout[nchunk - 1].wait()


def _scs_fn(w_hbm, out_hbm, sbuf0, sbuf1, ssin0, ssin1, ssout0, ssout1,
            vbuf0, vbuf1, vsin0, vsin1, vsout0, vsout1):
    del vbuf0, vbuf1, vsin0, vsin1, vsout0, vsout1
    base = lax.axis_index("c") * ROWS_PER_CORE
    _pipelined_copy(w_hbm, out_hbm, base, SCS_CHUNK, SCS_NCHUNK,
                    (sbuf0, sbuf1), (ssin0, ssin1), (ssout0, ssout1))


def _tec_fn(w_hbm, out_hbm, sbuf0, sbuf1, ssin0, ssin1, ssout0, ssout1,
            vbuf0, vbuf1, vsin0, vsin1, vsout0, vsout1):
    del sbuf0, sbuf1, ssin0, ssin1, ssout0, ssout1
    base = (lax.axis_index("c") * ROWS_PER_CORE + SCS_ROWS
            + lax.axis_index("s") * TEC_ROWS)
    _pipelined_copy(w_hbm, out_hbm, base, TEC_CHUNK, TEC_NCHUNK,
                    (vbuf0, vbuf1), (vsin0, vsin1), (vsout0, vsout1))


_sc_copy = mpmd.mpmd_map(
    [(_scalar_mesh, _scs_fn), (_vector_mesh, _tec_fn)],
    out_types=jax.ShapeDtypeStruct((MAX_LEN, D_MODEL), jnp.float32),
    scratch_types=[
        pltpu.VMEM_SHARED((SCS_CHUNK, D_MODEL), jnp.float32),
        pltpu.VMEM_SHARED((SCS_CHUNK, D_MODEL), jnp.float32),
        pltpu.SemaphoreType.DMA @ _scalar_mesh,
        pltpu.SemaphoreType.DMA @ _scalar_mesh,
        pltpu.SemaphoreType.DMA @ _scalar_mesh,
        pltpu.SemaphoreType.DMA @ _scalar_mesh,
        (_MS.VMEM @ _vector_mesh)((TEC_CHUNK, D_MODEL), jnp.float32),
        (_MS.VMEM @ _vector_mesh)((TEC_CHUNK, D_MODEL), jnp.float32),
        pltpu.SemaphoreType.DMA @ _vector_mesh,
        pltpu.SemaphoreType.DMA @ _vector_mesh,
        pltpu.SemaphoreType.DMA @ _vector_mesh,
        pltpu.SemaphoreType.DMA @ _vector_mesh,
    ],
)


def kernel(input_ids, W):
    del input_ids
    return _sc_copy(W)[None]

# --- scband reference (transcript-rebuilt; emitter-appended) ---
"""Pipeline reference for scband-positional-encoding-66915590471867 (READ-ONLY COPY).

The authoritative reference and input builder live on the scoring server;
editing this copy changes nothing except your own understanding.
"""

import jax, jax.numpy as jnp
import numpy as np

D_MODEL = 1024
MAX_LEN = 8192
BATCH = 4
SEQ_LEN = 8192

def setup_inputs(seed: int = 0) -> dict:
    key = jax.random.key(seed)
    k1, k2 = jax.random.split(key)
    input_ids = jax.random.randint(k1, (BATCH, SEQ_LEN), 0, MAX_LEN, dtype=jnp.int64 if jax.config.jax_enable_x64 else jnp.int32)
    # learned positional embedding table, init uniform(-0.02, 0.02)
    W = jax.random.uniform(k2, (MAX_LEN, D_MODEL), dtype=jnp.float32, minval=-0.02, maxval=0.02)
    return {"input_ids": input_ids, "W": W}

def reference(input_ids, W):
    batch_size, seq_len = input_ids.shape
    positions = jnp.arange(seq_len)[None, :]  # (1, seq_len)
    # embedding lookup: gather rows of the table
    out = jnp.take(W, positions, axis=0)  # (1, seq_len, d_model)
    return out

if __name__ == "__main__":
    import jax
    _d = setup_inputs()
    print(jax.jit(kernel)(*tuple(_d.values())))

</pallas_src>

<mosaic_0001>
#map = affine_map<(d0) -> (0, 0)>
#map1 = affine_map<(d0, d1) -> (0, 0)>
module attributes {stable_mosaic.version = 14 : i64} {
  func.func @_scs_fn(%arg0: i32, %arg1: memref<8192x1024xf32, #tpu.memory_space<hbm>>, %arg2: memref<8192x1024xf32, #tpu.memory_space<hbm>>, %arg3: memref<256x1024xf32, #tpu.memory_space<vmem_shared>>, %arg4: memref<256x1024xf32, #tpu.memory_space<vmem_shared>>, %arg5: memref<!tpu.dma_semaphore, #tpu.memory_space<semaphore_mem>>, %arg6: memref<!tpu.dma_semaphore, #tpu.memory_space<semaphore_mem>>, %arg7: memref<!tpu.dma_semaphore, #tpu.memory_space<semaphore_mem>>, %arg8: memref<!tpu.dma_semaphore, #tpu.memory_space<semaphore_mem>>, %arg9: memref<32x1024xf32, #tpu.memory_space<vmem, sc_vector_subcore>>, %arg10: memref<32x1024xf32, #tpu.memory_space<vmem, sc_vector_subcore>>, %arg11: memref<!tpu.dma_semaphore, #tpu.memory_space<semaphore_mem, sc_vector_subcore>>, %arg12: memref<!tpu.dma_semaphore, #tpu.memory_space<semaphore_mem, sc_vector_subcore>>, %arg13: memref<!tpu.dma_semaphore, #tpu.memory_space<semaphore_mem, sc_vector_subcore>>, %arg14: memref<!tpu.dma_semaphore, #tpu.memory_space<semaphore_mem, sc_vector_subcore>>) attributes {dimension_semantics = [#tpu.dimension_semantics<core_parallel>], iteration_bounds = array<i64: 2>, scalar_prefetch = 0 : i64, scratch_operands = 12 : i64, tpu.core_type = #tpu.core_type<sc_scalar_subcore>, window_params = [{transform_indices = #map}, {transform_indices = #map}]} {
    %mul3A = arith.constant 4096 : i32
    %mul3A_0 = arith.muli %arg0, %mul3A : i32
    %add3A = arith.constant 0 : i32
    %add3A_1 = arith.addi %mul3A_0, %add3A : i32
    %dma_start3A = arith.constant 0 : i32
    %dma_start3A_2 = tpu.memref_slice %arg1[%add3A_1, %dma_start3A] : memref<8192x1024xf32, #tpu.memory_space<hbm>> -> memref<256x1024xf32, #tpu.memory_space<hbm>>
    tpu.enqueue_dma source(%dma_start3A_2 : memref<256x1024xf32, #tpu.memory_space<hbm>>) target(%arg3 : memref<256x1024xf32, #tpu.memory_space<vmem_shared>>) target_semaphore(%arg5 : memref<!tpu.dma_semaphore, #tpu.memory_space<semaphore_mem>>)
    %add3A_3 = arith.constant 256 : i32
    %add3A_4 = arith.addi %mul3A_0, %add3A_3 : i32
    %dma_start3A_5 = arith.constant 0 : i32
    %dma_start3A_6 = tpu.memref_slice %arg1[%add3A_4, %dma_start3A_5] : memref<8192x1024xf32, #tpu.memory_space<hbm>> -> memref<256x1024xf32, #tpu.memory_space<hbm>>
    tpu.enqueue_dma source(%dma_start3A_6 : memref<256x1024xf32, #tpu.memory_space<hbm>>) target(%arg4 : memref<256x1024xf32, #tpu.memory_space<vmem_shared>>) target_semaphore(%arg6 : memref<!tpu.dma_semaphore, #tpu.memory_space<semaphore_mem>>)
    %dma_wait3A = arith.constant 0 : i32
    %dma_wait3A_7 = tpu.memref_slice %arg1[%add3A_1, %dma_wait3A] : memref<8192x1024xf32, #tpu.memory_space<hbm>> -> memref<256x1024xf32, #tpu.memory_space<hbm>>
    tpu.wait_dma2 semaphore(%arg5 : memref<!tpu.dma_semaphore, #tpu.memory_space<semaphore_mem>>) src(%dma_wait3A_7 : memref<256x1024xf32, #tpu.memory_space<hbm>>) dst(%arg3 : memref<256x1024xf32, #tpu.memory_space<vmem_shared>>)
    %add3A_8 = arith.constant 0 : i32
    %add3A_9 = arith.addi %mul3A_0, %add3A_8 : i32
    %dma_start3A_10 = arith.constant 0 : i32
    %dma_start3A_11 = tpu.memref_slice %arg2[%add3A_9, %dma_start3A_10] : memref<8192x1024xf32, #tpu.memory_space<hbm>> -> memref<256x1024xf32, #tpu.memory_space<hbm>>
    tpu.enqueue_dma source(%arg3 : memref<256x1024xf32, #tpu.memory_space<vmem_shared>>) target(%dma_start3A_11 : memref<256x1024xf32, #tpu.memory_space<hbm>>) target_semaphore(%arg7 : memref<!tpu.dma_semaphore, #tpu.memory_space<semaphore_mem>>)
    %dma_wait3A_12 = arith.constant 0 : i32
    %dma_wait3A_13 = tpu.memref_slice %arg2[%add3A_9, %dma_wait3A_12] : memref<8192x1024xf32, #tpu.memory_space<hbm>> -> memref<256x1024xf32, #tpu.memory_space<hbm>>
    tpu.wait_dma2 semaphore(%arg7 : memref<!tpu.dma_semaphore, #tpu.memory_space<semaphore_mem>>) src(%arg3 : memref<256x1024xf32, #tpu.memory_space<vmem_shared>>) dst(%dma_wait3A_13 : memref<256x1024xf32, #tpu.memory_space<hbm>>)
    %add3A_14 = arith.constant 512 : i32
    %add3A_15 = arith.addi %mul3A_0, %add3A_14 : i32
    %dma_start3A_16 = arith.constant 0 : i32
    %dma_start3A_17 = tpu.memref_slice %arg1[%add3A_15, %dma_start3A_16] : memref<8192x1024xf32, #tpu.memory_space<hbm>> -> memref<256x1024xf32, #tpu.memory_space<hbm>>
    tpu.enqueue_dma source(%dma_start3A_17 : memref<256x1024xf32, #tpu.memory_space<hbm>>) target(%arg3 : memref<256x1024xf32, #tpu.memory_space<vmem_shared>>) target_semaphore(%arg5 : memref<!tpu.dma_semaphore, #tpu.memory_space<semaphore_mem>>)
    %dma_wait3A_18 = arith.constant 0 : i32
    %dma_wait3A_19 = tpu.memref_slice %arg1[%add3A_4, %dma_wait3A_18] : memref<8192x1024xf32, #tpu.memory_space<hbm>> -> memref<256x1024xf32, #tpu.memory_space<hbm>>
    tpu.wait_dma2 semaphore(%arg6 : memref<!tpu.dma_semaphore, #tpu.memory_space<semaphore_mem>>) src(%dma_wait3A_19 : memref<256x1024xf32, #tpu.memory_space<hbm>>) dst(%arg4 : memref<256x1024xf32, #tpu.memory_space<vmem_shared>>)
    %add3A_20 = arith.constant 256 : i32
    %add3A_21 = arith.addi %mul3A_0, %add3A_20 : i32
    %dma_start3A_22 = arith.constant 0 : i32
    %dma_start3A_23 = tpu.memref_slice %arg2[%add3A_21, %dma_start3A_22] : memref<8192x1024xf32, #tpu.memory_space<hbm>> -> memref<256x1024xf32, #tpu.memory_space<hbm>>
    tpu.enqueue_dma source(%arg4 : memref<256x1024xf32, #tpu.memory_space<vmem_shared>>) target(%dma_start3A_23 : memref<256x1024xf32, #tpu.memory_space<hbm>>) target_semaphore(%arg8 : memref<!tpu.dma_semaphore, #tpu.memory_space<semaphore_mem>>)
    %dma_wait3A_24 = arith.constant 0 : i32
    %dma_wait3A_25 = tpu.memref_slice %arg2[%add3A_21, %dma_wait3A_24] : memref<8192x1024xf32, #tpu.memory_space<hbm>> -> memref<256x1024xf32, #tpu.memory_space<hbm>>
    tpu.wait_dma2 semaphore(%arg8 : memref<!tpu.dma_semaphore, #tpu.memory_space<semaphore_mem>>) src(%arg4 : memref<256x1024xf32, #tpu.memory_space<vmem_shared>>) dst(%dma_wait3A_25 : memref<256x1024xf32, #tpu.memory_space<hbm>>)
    %add3A_26 = arith.constant 768 : i32
    %add3A_27 = arith.addi %mul3A_0, %add3A_26 : i32
    %dma_start3A_28 = arith.constant 0 : i32
    %dma_start3A_29 = tpu.memref_slice %arg1[%add3A_27, %dma_start3A_28] : memref<8192x1024xf32, #tpu.memory_space<hbm>> -> memref<256x1024xf32, #tpu.memory_space<hbm>>
    tpu.enqueue_dma source(%dma_start3A_29 : memref<256x1024xf32, #tpu.memory_space<hbm>>) target(%arg4 : memref<256x1024xf32, #tpu.memory_space<vmem_shared>>) target_semaphore(%arg6 : memref<!tpu.dma_semaphore, #tpu.memory_space<semaphore_mem>>)
    %dma_wait3A_30 = arith.constant 0 : i32
    %dma_wait3A_31 = tpu.memref_slice %arg1[%add3A_15, %dma_wait3A_30] : memref<8192x1024xf32, #tpu.memory_space<hbm>> -> memref<256x1024xf32, #tpu.memory_space<hbm>>
    tpu.wait_dma2 semaphore(%arg5 : memref<!tpu.dma_semaphore, #tpu.memory_space<semaphore_mem>>) src(%dma_wait3A_31 : memref<256x1024xf32, #tpu.memory_space<hbm>>) dst(%arg3 : memref<256x1024xf32, #tpu.memory_space<vmem_shared>>)
    %add3A_32 = arith.constant 512 : i32
    %add3A_33 = arith.addi %mul3A_0, %add3A_32 : i32
    %dma_start3A_34 = arith.constant 0 : i32
    %dma_start3A_35 = tpu.memref_slice %arg2[%add3A_33, %dma_start3A_34] : memref<8192x1024xf32, #tpu.memory_space<hbm>> -> memref<256x1024xf32, #tpu.memory_space<hbm>>
    tpu.enqueue_dma source(%arg3 : memref<256x1024xf32, #tpu.memory_space<vmem_shared>>) target(%dma_start3A_35 : memref<256x1024xf32, #tpu.memory_space<hbm>>) target_semaphore(%arg7 : memref<!tpu.dma_semaphore, #tpu.memory_space<semaphore_mem>>)
    %dma_wait3A_36 = arith.constant 0 : i32
    %dma_wait3A_37 = tpu.memref_slice %arg2[%add3A_33, %dma_wait3A_36] : memref<8192x1024xf32, #tpu.memory_space<hbm>> -> memref<256x1024xf32, #tpu.memory_space<hbm>>
    tpu.wait_dma2 semaphore(%arg7 : memref<!tpu.dma_semaphore, #tpu.memory_space<semaphore_mem>>) src(%arg3 : memref<256x1024xf32, #tpu.memory_space<vmem_shared>>) dst(%dma_wait3A_37 : memref<256x1024xf32, #tpu.memory_space<hbm>>)
    %add3A_38 = arith.constant 1024 : i32
    %add3A_39 = arith.addi %mul3A_0, %add3A_38 : i32
    %dma_start3A_40 = arith.constant 0 : i32
    %dma_start3A_41 = tpu.memref_slice %arg1[%add3A_39, %dma_start3A_40] : memref<8192x1024xf32, #tpu.memory_space<hbm>> -> memref<256x1024xf32, #tpu.memory_space<hbm>>
    tpu.enqueue_dma source(%dma_start3A_41 : memref<256x1024xf32, #tpu.memory_space<hbm>>) target(%arg3 : memref<256x1024xf32, #tpu.memory_space<vmem_shared>>) target_semaphore(%arg5 : memref<!tpu.dma_semaphore, #tpu.memory_space<semaphore_mem>>)
    %dma_wait3A_42 = arith.constant 0 : i32
    %dma_wait3A_43 = tpu.memref_slice %arg1[%add3A_27, %dma_wait3A_42] : memref<8192x1024xf32, #tpu.memory_space<hbm>> -> memref<256x1024xf32, #tpu.memory_space<hbm>>
    tpu.wait_dma2 semaphore(%arg6 : memref<!tpu.dma_semaphore, #tpu.memory_space<semaphore_mem>>) src(%dma_wait3A_43 : memref<256x1024xf32, #tpu.memory_space<hbm>>) dst(%arg4 : memref<256x1024xf32, #tpu.memory_space<vmem_shared>>)
    %add3A_44 = arith.constant 768 : i32
    %add3A_45 = arith.addi %mul3A_0, %add3A_44 : i32
    %dma_start3A_46 = arith.constant 0 : i32
    %dma_start3A_47 = tpu.memref_slice %arg2[%add3A_45, %dma_start3A_46] : memref<8192x1024xf32, #tpu.memory_space<hbm>> -> memref<256x1024xf32, #tpu.memory_space<hbm>>
    tpu.enqueue_dma source(%arg4 : memref<256x1024xf32, #tpu.memory_space<vmem_shared>>) target(%dma_start3A_47 : memref<256x1024xf32, #tpu.memory_space<hbm>>) target_semaphore(%arg8 : memref<!tpu.dma_semaphore, #tpu.memory_space<semaphore_mem>>)
    %dma_wait3A_48 = arith.constant 0 : i32
    %dma_wait3A_49 = tpu.memref_slice %arg2[%add3A_45, %dma_wait3A_48] : memref<8192x1024xf32, #tpu.memory_space<hbm>> -> memref<256x1024xf32, #tpu.memory_space<hbm>>
    tpu.wait_dma2 semaphore(%arg8 : memref<!tpu.dma_semaphore, #tpu.memory_space<semaphore_mem>>) src(%arg4 : memref<256x1024xf32, #tpu.memory_space<vmem_shared>>) dst(%dma_wait3A_49 : memref<256x1024xf32, #tpu.memory_space<hbm>>)
    %add3A_50 = arith.constant 1280 : i32
    %add3A_51 = arith.addi %mul3A_0, %add3A_50 : i32
    %dma_start3A_52 = arith.constant 0 : i32
    %dma_start3A_53 = tpu.memref_slice %arg1[%add3A_51, %dma_start3A_52] : memref<8192x1024xf32, #tpu.memory_space<hbm>> -> memref<256x1024xf32, #tpu.memory_space<hbm>>
    tpu.enqueue_dma source(%dma_start3A_53 : memref<256x1024xf32, #tpu.memory_space<hbm>>) target(%arg4 : memref<256x1024xf32, #tpu.memory_space<vmem_shared>>) target_semaphore(%arg6 : memref<!tpu.dma_semaphore, #tpu.memory_space<semaphore_mem>>)
    %dma_wait3A_54 = arith.constant 0 : i32
    %dma_wait3A_55 = tpu.memref_slice %arg1[%add3A_39, %dma_wait3A_54] : memref<8192x1024xf32, #tpu.memory_space<hbm>> -> memref<256x1024xf32, #tpu.memory_space<hbm>>
    tpu.wait_dma2 semaphore(%arg5 : memref<!tpu.dma_semaphore, #tpu.memory_space<semaphore_mem>>) src(%dma_wait3A_55 : memref<256x1024xf32, #tpu.memory_space<hbm>>) dst(%arg3 : memref<256x1024xf32, #tpu.memory_space<vmem_shared>>)
    %add3A_56 = arith.constant 1024 : i32
    %add3A_57 = arith.addi %mul3A_0, %add3A_56 : i32
    %dma_start3A_58 = arith.constant 0 : i32
    %dma_start3A_59 = tpu.memref_slice %arg2[%add3A_57, %dma_start3A_58] : memref<8192x1024xf32, #tpu.memory_space<hbm>> -> memref<256x1024xf32, #tpu.memory_space<hbm>>
    tpu.enqueue_dma source(%arg3 : memref<256x1024xf32, #tpu.memory_space<vmem_shared>>) target(%dma_start3A_59 : memref<256x1024xf32, #tpu.memory_space<hbm>>) target_semaphore(%arg7 : memref<!tpu.dma_semaphore, #tpu.memory_space<semaphore_mem>>)
    %dma_wait3A_60 = arith.constant 0 : i32
    %dma_wait3A_61 = tpu.memref_slice %arg1[%add3A_51, %dma_wait3A_60] : memref<8192x1024xf32, #tpu.memory_space<hbm>> -> memref<256x1024xf32, #tpu.memory_space<hbm>>
    tpu.wait_dma2 semaphore(%arg6 : memref<!tpu.dma_semaphore, #tpu.memory_space<semaphore_mem>>) src(%dma_wait3A_61 : memref<256x1024xf32, #tpu.memory_space<hbm>>) dst(%arg4 : memref<256x1024xf32, #tpu.memory_space<vmem_shared>>)
    %add3A_62 = arith.constant 1280 : i32
    %add3A_63 = arith.addi %mul3A_0, %add3A_62 : i32
    %dma_start3A_64 = arith.constant 0 : i32
    %dma_start3A_65 = tpu.memref_slice %arg2[%add3A_63, %dma_start3A_64] : memref<8192x1024xf32, #tpu.memory_space<hbm>> -> memref<256x1024xf32, #tpu.memory_space<hbm>>
    tpu.enqueue_dma source(%arg4 : memref<256x1024xf32, #tpu.memory_space<vmem_shared>>) target(%dma_start3A_65 : memref<256x1024xf32, #tpu.memory_space<hbm>>) target_semaphore(%arg8 : memref<!tpu.dma_semaphore, #tpu.memory_space<semaphore_mem>>)
    %dma_wait3A_66 = arith.constant 0 : i32
    %dma_wait3A_67 = tpu.memref_slice %arg2[%add3A_57, %dma_wait3A_66] : memref<8192x1024xf32, #tpu.memory_space<hbm>> -> memref<256x1024xf32, #tpu.memory_space<hbm>>
    tpu.wait_dma2 semaphore(%arg7 : memref<!tpu.dma_semaphore, #tpu.memory_space<semaphore_mem>>) src(%arg3 : memref<256x1024xf32, #tpu.memory_space<vmem_shared>>) dst(%dma_wait3A_67 : memref<256x1024xf32, #tpu.memory_space<hbm>>)
    %dma_wait3A_68 = arith.constant 0 : i32
    %dma_wait3A_69 = tpu.memref_slice %arg2[%add3A_63, %dma_wait3A_68] : memref<8192x1024xf32, #tpu.memory_space<hbm>> -> memref<256x1024xf32, #tpu.memory_space<hbm>>
    tpu.wait_dma2 semaphore(%arg8 : memref<!tpu.dma_semaphore, #tpu.memory_space<semaphore_mem>>) src(%arg4 : memref<256x1024xf32, #tpu.memory_space<vmem_shared>>) dst(%dma_wait3A_69 : memref<256x1024xf32, #tpu.memory_space<hbm>>)
    return
  }
  func.func @_tec_fn(%arg0: i32, %arg1: i32, %arg2: memref<8192x1024xf32, #tpu.memory_space<hbm>>, %arg3: memref<8192x1024xf32, #tpu.memory_space<hbm>>, %arg4: memref<256x1024xf32, #tpu.memory_space<vmem_shared>>, %arg5: memref<256x1024xf32, #tpu.memory_space<vmem_shared>>, %arg6: memref<!tpu.dma_semaphore, #tpu.memory_space<semaphore_mem, sc_scalar_subcore>>, %arg7: memref<!tpu.dma_semaphore, #tpu.memory_space<semaphore_mem, sc_scalar_subcore>>, %arg8: memref<!tpu.dma_semaphore, #tpu.memory_space<semaphore_mem, sc_scalar_subcore>>, %arg9: memref<!tpu.dma_semaphore, #tpu.memory_space<semaphore_mem, sc_scalar_subcore>>, %arg10: memref<32x1024xf32, #tpu.memory_space<vmem>>, %arg11: memref<32x1024xf32, #tpu.memory_space<vmem>>, %arg12: memref<!tpu.dma_semaphore, #tpu.memory_space<semaphore_mem>>, %arg13: memref<!tpu.dma_semaphore, #tpu.memory_space<semaphore_mem>>, %arg14: memref<!tpu.dma_semaphore, #tpu.memory_space<semaphore_mem>>, %arg15: memref<!tpu.dma_semaphore, #tpu.memory_space<semaphore_mem>>) attributes {dimension_semantics = [#tpu.dimension_semantics<core_parallel>, #tpu.dimension_semantics<subcore_parallel>], iteration_bounds = array<i64: 2, 16>, scalar_prefetch = 0 : i64, scratch_operands = 12 : i64, tpu.core_type = #tpu.core_type<sc_vector_subcore>, window_params = [{transform_indices = #map1}, {transform_indices = #map1}]} {
    %mul3A = arith.constant 4096 : i32
    %mul3A_0 = arith.muli %arg0, %mul3A : i32
    %add3A = arith.constant 1536 : i32
    %add3A_1 = arith.addi %mul3A_0, %add3A : i32
    %mul3A_2 = arith.constant 160 : i32
    %mul3A_3 = arith.muli %arg1, %mul3A_2 : i32
    %add3A_4 = arith.addi %add3A_1, %mul3A_3 : i32
    %add3A_5 = arith.constant 0 : i32
    %add3A_6 = arith.addi %add3A_4, %add3A_5 : i32
    %dma_start3A = arith.constant 0 : i32
    %dma_start3A_7 = tpu.memref_slice %arg2[%add3A_6, %dma_start3A] : memref<8192x1024xf32, #tpu.memory_space<hbm>> -> memref<32x1024xf32, #tpu.memory_space<hbm>>
    %dma_start3A_8 = arith.constant 0 : i32
    %dma_start3A_9 = tpu.memref_slice %arg2[%add3A_6, %dma_start3A_8] : memref<8192x1024xf32, #tpu.memory_space<hbm>> -> memref<32x1024xf32, #tpu.memory_space<hbm>>
    tpu.enqueue_dma source(%dma_start3A_9 : memref<32x1024xf32, #tpu.memory_space<hbm>>) target(%arg10 : memref<32x1024xf32, #tpu.memory_space<vmem>>) target_semaphore(%arg12 : memref<!tpu.dma_semaphore, #tpu.memory_space<semaphore_mem>>)
    %add3A_10 = arith.constant 32 : i32
    %add3A_11 = arith.addi %add3A_4, %add3A_10 : i32
    %dma_start3A_12 = arith.constant 0 : i32
    %dma_start3A_13 = tpu.memref_slice %arg2[%add3A_11, %dma_start3A_12] : memref<8192x1024xf32, #tpu.memory_space<hbm>> -> memref<32x1024xf32, #tpu.memory_space<hbm>>
    %dma_start3A_14 = arith.constant 0 : i32
    %dma_start3A_15 = tpu.memref_slice %arg2[%add3A_11, %dma_start3A_14] : memref<8192x1024xf32, #tpu.memory_space<hbm>> -> memref<32x1024xf32, #tpu.memory_space<hbm>>
    tpu.enqueue_dma source(%dma_start3A_15 : memref<32x1024xf32, #tpu.memory_space<hbm>>) target(%arg11 : memref<32x1024xf32, #tpu.memory_space<vmem>>) target_semaphore(%arg13 : memref<!tpu.dma_semaphore, #tpu.memory_space<semaphore_mem>>)
    %dma_wait3A = arith.constant 0 : i32
    %dma_wait3A_16 = tpu.memref_slice %arg2[%add3A_6, %dma_wait3A] : memref<8192x1024xf32, #tpu.memory_space<hbm>> -> memref<32x1024xf32, #tpu.memory_space<hbm>>
    %dma_wait3A_17 = arith.constant 0 : i32
    %dma_wait3A_18 = tpu.memref_slice %arg2[%add3A_6, %dma_wait3A_17] : memref<8192x1024xf32, #tpu.memory_space<hbm>> -> memref<32x1024xf32, #tpu.memory_space<hbm>>
    tpu.wait_dma2 semaphore(%arg12 : memref<!tpu.dma_semaphore, #tpu.memory_space<semaphore_mem>>) src(%dma_wait3A_18 : memref<32x1024xf32, #tpu.memory_space<hbm>>) dst(%arg10 : memref<32x1024xf32, #tpu.memory_space<vmem>>)
    %add3A_19 = arith.constant 0 : i32
    %add3A_20 = arith.addi %add3A_4, %add3A_19 : i32
    %dma_start3A_21 = arith.constant 0 : i32
    %dma_start3A_22 = tpu.memref_slice %arg3[%add3A_20, %dma_start3A_21] : memref<8192x1024xf32, #tpu.memory_space<hbm>> -> memref<32x1024xf32, #tpu.memory_space<hbm>>
    %dma_start3A_23 = arith.constant 0 : i32
    %dma_start3A_24 = tpu.memref_slice %arg3[%add3A_20, %dma_start3A_23] : memref<8192x1024xf32, #tpu.memory_space<hbm>> -> memref<32x1024xf32, #tpu.memory_space<hbm>>
    tpu.enqueue_dma source(%arg10 : memref<32x1024xf32, #tpu.memory_space<vmem>>) target(%dma_start3A_24 : memref<32x1024xf32, #tpu.memory_space<hbm>>) target_semaphore(%arg14 : memref<!tpu.dma_semaphore, #tpu.memory_space<semaphore_mem>>)
    %dma_wait3A_25 = arith.constant 0 : i32
    %dma_wait3A_26 = tpu.memref_slice %arg3[%add3A_20, %dma_wait3A_25] : memref<8192x1024xf32, #tpu.memory_space<hbm>> -> memref<32x1024xf32, #tpu.memory_space<hbm>>
    %dma_wait3A_27 = arith.constant 0 : i32
    %dma_wait3A_28 = tpu.memref_slice %arg3[%add3A_20, %dma_wait3A_27] : memref<8192x1024xf32, #tpu.memory_space<hbm>> -> memref<32x1024xf32, #tpu.memory_space<hbm>>
    tpu.wait_dma2 semaphore(%arg14 : memref<!tpu.dma_semaphore, #tpu.memory_space<semaphore_mem>>) src(%arg10 : memref<32x1024xf32, #tpu.memory_space<vmem>>) dst(%dma_wait3A_28 : memref<32x1024xf32, #tpu.memory_space<hbm>>)
    %add3A_29 = arith.constant 64 : i32
    %add3A_30 = arith.addi %add3A_4, %add3A_29 : i32
    %dma_start3A_31 = arith.constant 0 : i32
    %dma_start3A_32 = tpu.memref_slice %arg2[%add3A_30, %dma_start3A_31] : memref<8192x1024xf32, #tpu.memory_space<hbm>> -> memref<32x1024xf32, #tpu.memory_space<hbm>>
    %dma_start3A_33 = arith.constant 0 : i32
    %dma_start3A_34 = tpu.memref_slice %arg2[%add3A_30, %dma_start3A_33] : memref<8192x1024xf32, #tpu.memory_space<hbm>> -> memref<32x1024xf32, #tpu.memory_space<hbm>>
    tpu.enqueue_dma source(%dma_start3A_34 : memref<32x1024xf32, #tpu.memory_space<hbm>>) target(%arg10 : memref<32x1024xf32, #tpu.memory_space<vmem>>) target_semaphore(%arg12 : memref<!tpu.dma_semaphore, #tpu.memory_space<semaphore_mem>>)
    %dma_wait3A_35 = arith.constant 0 : i32
    %dma_wait3A_36 = tpu.memref_slice %arg2[%add3A_11, %dma_wait3A_35] : memref<8192x1024xf32, #tpu.memory_space<hbm>> -> memref<32x1024xf32, #tpu.memory_space<hbm>>
    %dma_wait3A_37 = arith.constant 0 : i32
    %dma_wait3A_38 = tpu.memref_slice %arg2[%add3A_11, %dma_wait3A_37] : memref<8192x1024xf32, #tpu.memory_space<hbm>> -> memref<32x1024xf32, #tpu.memory_space<hbm>>
    tpu.wait_dma2 semaphore(%arg13 : memref<!tpu.dma_semaphore, #tpu.memory_space<semaphore_mem>>) src(%dma_wait3A_38 : memref<32x1024xf32, #tpu.memory_space<hbm>>) dst(%arg11 : memref<32x1024xf32, #tpu.memory_space<vmem>>)
    %add3A_39 = arith.constant 32 : i32
    %add3A_40 = arith.addi %add3A_4, %add3A_39 : i32
    %dma_start3A_41 = arith.constant 0 : i32
    %dma_start3A_42 = tpu.memref_slice %arg3[%add3A_40, %dma_start3A_41] : memref<8192x1024xf32, #tpu.memory_space<hbm>> -> memref<32x1024xf32, #tpu.memory_space<hbm>>
    %dma_start3A_43 = arith.constant 0 : i32
    %dma_start3A_44 = tpu.memref_slice %arg3[%add3A_40, %dma_start3A_43] : memref<8192x1024xf32, #tpu.memory_space<hbm>> -> memref<32x1024xf32, #tpu.memory_space<hbm>>
    tpu.enqueue_dma source(%arg11 : memref<32x1024xf32, #tpu.memory_space<vmem>>) target(%dma_start3A_44 : memref<32x1024xf32, #tpu.memory_space<hbm>>) target_semaphore(%arg15 : memref<!tpu.dma_semaphore, #tpu.memory_space<semaphore_mem>>)
    %dma_wait3A_45 = arith.constant 0 : i32
    %dma_wait3A_46 = tpu.memref_slice %arg3[%add3A_40, %dma_wait3A_45] : memref<8192x1024xf32, #tpu.memory_space<hbm>> -> memref<32x1024xf32, #tpu.memory_space<hbm>>
    %dma_wait3A_47 = arith.constant 0 : i32
    %dma_wait3A_48 = tpu.memref_slice %arg3[%add3A_40, %dma_wait3A_47] : memref<8192x1024xf32, #tpu.memory_space<hbm>> -> memref<32x1024xf32, #tpu.memory_space<hbm>>
    tpu.wait_dma2 semaphore(%arg15 : memref<!tpu.dma_semaphore, #tpu.memory_space<semaphore_mem>>) src(%arg11 : memref<32x1024xf32, #tpu.memory_space<vmem>>) dst(%dma_wait3A_48 : memref<32x1024xf32, #tpu.memory_space<hbm>>)
    %add3A_49 = arith.constant 96 : i32
    %add3A_50 = arith.addi %add3A_4, %add3A_49 : i32
    %dma_start3A_51 = arith.constant 0 : i32
    %dma_start3A_52 = tpu.memref_slice %arg2[%add3A_50, %dma_start3A_51] : memref<8192x1024xf32, #tpu.memory_space<hbm>> -> memref<32x1024xf32, #tpu.memory_space<hbm>>
    %dma_start3A_53 = arith.constant 0 : i32
    %dma_start3A_54 = tpu.memref_slice %arg2[%add3A_50, %dma_start3A_53] : memref<8192x1024xf32, #tpu.memory_space<hbm>> -> memref<32x1024xf32, #tpu.memory_space<hbm>>
    tpu.enqueue_dma source(%dma_start3A_54 : memref<32x1024xf32, #tpu.memory_space<hbm>>) target(%arg11 : memref<32x1024xf32, #tpu.memory_space<vmem>>) target_semaphore(%arg13 : memref<!tpu.dma_semaphore, #tpu.memory_space<semaphore_mem>>)
    %dma_wait3A_55 = arith.constant 0 : i32
    %dma_wait3A_56 = tpu.memref_slice %arg2[%add3A_30, %dma_wait3A_55] : memref<8192x1024xf32, #tpu.memory_space<hbm>> -> memref<32x1024xf32, #tpu.memory_space<hbm>>
    %dma_wait3A_57 = arith.constant 0 : i32
    %dma_wait3A_58 = tpu.memref_slice %arg2[%add3A_30, %dma_wait3A_57] : memref<8192x1024xf32, #tpu.memory_space<hbm>> -> memref<32x1024xf32, #tpu.memory_space<hbm>>
    tpu.wait_dma2 semaphore(%arg12 : memref<!tpu.dma_semaphore, #tpu.memory_space<semaphore_mem>>) src(%dma_wait3A_58 : memref<32x1024xf32, #tpu.memory_space<hbm>>) dst(%arg10 : memref<32x1024xf32, #tpu.memory_space<vmem>>)
    %add3A_59 = arith.constant 64 : i32
    %add3A_60 = arith.addi %add3A_4, %add3A_59 : i32
    %dma_start3A_61 = arith.constant 0 : i32
    %dma_start3A_62 = tpu.memref_slice %arg3[%add3A_60, %dma_start3A_61] : memref<8192x1024xf32, #tpu.memory_space<hbm>> -> memref<32x1024xf32, #tpu.memory_space<hbm>>
    %dma_start3A_63 = arith.constant 0 : i32
    %dma_start3A_64 = tpu.memref_slice %arg3[%add3A_60, %dma_start3A_63] : memref<8192x1024xf32, #tpu.memory_space<hbm>> -> memref<32x1024xf32, #tpu.memory_space<hbm>>
    tpu.enqueue_dma source(%arg10 : memref<32x1024xf32, #tpu.memory_space<vmem>>) target(%dma_start3A_64 : memref<32x1024xf32, #tpu.memory_space<hbm>>) target_semaphore(%arg14 : memref<!tpu.dma_semaphore, #tpu.memory_space<semaphore_mem>>)
    %dma_wait3A_65 = arith.constant 0 : i32
    %dma_wait3A_66 = tpu.memref_slice %arg3[%add3A_60, %dma_wait3A_65] : memref<8192x1024xf32, #tpu.memory_space<hbm>> -> memref<32x1024xf32, #tpu.memory_space<hbm>>
    %dma_wait3A_67 = arith.constant 0 : i32
    %dma_wait3A_68 = tpu.memref_slice %arg3[%add3A_60, %dma_wait3A_67] : memref<8192x1024xf32, #tpu.memory_space<hbm>> -> memref<32x1024xf32, #tpu.memory_space<hbm>>
    tpu.wait_dma2 semaphore(%arg14 : memref<!tpu.dma_semaphore, #tpu.memory_space<semaphore_mem>>) src(%arg10 : memref<32x1024xf32, #tpu.memory_space<vmem>>) dst(%dma_wait3A_68 : memref<32x1024xf32, #tpu.memory_space<hbm>>)
    %add3A_69 = arith.constant 128 : i32
    %add3A_70 = arith.addi %add3A_4, %add3A_69 : i32
    %dma_start3A_71 = arith.constant 0 : i32
    %dma_start3A_72 = tpu.memref_slice %arg2[%add3A_70, %dma_start3A_71] : memref<8192x1024xf32, #tpu.memory_space<hbm>> -> memref<32x1024xf32, #tpu.memory_space<hbm>>
    %dma_start3A_73 = arith.constant 0 : i32
    %dma_start3A_74 = tpu.memref_slice %arg2[%add3A_70, %dma_start3A_73] : memref<8192x1024xf32, #tpu.memory_space<hbm>> -> memref<32x1024xf32, #tpu.memory_space<hbm>>
    tpu.enqueue_dma source(%dma_start3A_74 : memref<32x1024xf32, #tpu.memory_space<hbm>>) target(%arg10 : memref<32x1024xf32, #tpu.memory_space<vmem>>) target_semaphore(%arg12 : memref<!tpu.dma_semaphore, #tpu.memory_space<semaphore_mem>>)
    %dma_wait3A_75 = arith.constant 0 : i32
    %dma_wait3A_76 = tpu.memref_slice %arg2[%add3A_50, %dma_wait3A_75] : memref<8192x1024xf32, #tpu.memory_space<hbm>> -> memref<32x1024xf32, #tpu.memory_space<hbm>>
    %dma_wait3A_77 = arith.constant 0 : i32
    %dma_wait3A_78 = tpu.memref_slice %arg2[%add3A_50, %dma_wait3A_77] : memref<8192x1024xf32, #tpu.memory_space<hbm>> -> memref<32x1024xf32, #tpu.memory_space<hbm>>
    tpu.wait_dma2 semaphore(%arg13 : memref<!tpu.dma_semaphore, #tpu.memory_space<semaphore_mem>>) src(%dma_wait3A_78 : memref<32x1024xf32, #tpu.memory_space<hbm>>) dst(%arg11 : memref<32x1024xf32, #tpu.memory_space<vmem>>)
    %add3A_79 = arith.constant 96 : i32
    %add3A_80 = arith.addi %add3A_4, %add3A_79 : i32
    %dma_start3A_81 = arith.constant 0 : i32
    %dma_start3A_82 = tpu.memref_slice %arg3[%add3A_80, %dma_start3A_81] : memref<8192x1024xf32, #tpu.memory_space<hbm>> -> memref<32x1024xf32, #tpu.memory_space<hbm>>
    %dma_start3A_83 = arith.constant 0 : i32
    %dma_start3A_84 = tpu.memref_slice %arg3[%add3A_80, %dma_start3A_83] : memref<8192x1024xf32, #tpu.memory_space<hbm>> -> memref<32x1024xf32, #tpu.memory_space<hbm>>
    tpu.enqueue_dma source(%arg11 : memref<32x1024xf32, #tpu.memory_space<vmem>>) target(%dma_start3A_84 : memref<32x1024xf32, #tpu.memory_space<hbm>>) target_semaphore(%arg15 : memref<!tpu.dma_semaphore, #tpu.memory_space<semaphore_mem>>)
    %dma_wait3A_85 = arith.constant 0 : i32
    %dma_wait3A_86 = tpu.memref_slice %arg2[%add3A_70, %dma_wait3A_85] : memref<8192x1024xf32, #tpu.memory_space<hbm>> -> memref<32x1024xf32, #tpu.memory_space<hbm>>
    %dma_wait3A_87 = arith.constant 0 : i32
    %dma_wait3A_88 = tpu.memref_slice %arg2[%add3A_70, %dma_wait3A_87] : memref<8192x1024xf32, #tpu.memory_space<hbm>> -> memref<32x1024xf32, #tpu.memory_space<hbm>>
    tpu.wait_dma2 semaphore(%arg12 : memref<!tpu.dma_semaphore, #tpu.memory_space<semaphore_mem>>) src(%dma_wait3A_88 : memref<32x1024xf32, #tpu.memory_space<hbm>>) dst(%arg10 : memref<32x1024xf32, #tpu.memory_space<vmem>>)
    %add3A_89 = arith.constant 128 : i32
    %add3A_90 = arith.addi %add3A_4, %add3A_89 : i32
    %dma_start3A_91 = arith.constant 0 : i32
    %dma_start3A_92 = tpu.memref_slice %arg3[%add3A_90, %dma_start3A_91] : memref<8192x1024xf32, #tpu.memory_space<hbm>> -> memref<32x1024xf32, #tpu.memory_space<hbm>>
    %dma_start3A_93 = arith.constant 0 : i32
    %dma_start3A_94 = tpu.memref_slice %arg3[%add3A_90, %dma_start3A_93] : memref<8192x1024xf32, #tpu.memory_space<hbm>> -> memref<32x1024xf32, #tpu.memory_space<hbm>>
    tpu.enqueue_dma source(%arg10 : memref<32x1024xf32, #tpu.memory_space<vmem>>) target(%dma_start3A_94 : memref<32x1024xf32, #tpu.memory_space<hbm>>) target_semaphore(%arg14 : memref<!tpu.dma_semaphore, #tpu.memory_space<semaphore_mem>>)
    %dma_wait3A_95 = arith.constant 0 : i32
    %dma_wait3A_96 = tpu.memref_slice %arg3[%add3A_80, %dma_wait3A_95] : memref<8192x1024xf32, #tpu.memory_space<hbm>> -> memref<32x1024xf32, #tpu.memory_space<hbm>>
    %dma_wait3A_97 = arith.constant 0 : i32
    %dma_wait3A_98 = tpu.memref_slice %arg3[%add3A_80, %dma_wait3A_97] : memref<8192x1024xf32, #tpu.memory_space<hbm>> -> memref<32x1024xf32, #tpu.memory_space<hbm>>
    tpu.wait_dma2 semaphore(%arg15 : memref<!tpu.dma_semaphore, #tpu.memory_space<semaphore_mem>>) src(%arg11 : memref<32x1024xf32, #tpu.memory_space<vmem>>) dst(%dma_wait3A_98 : memref<32x1024xf32, #tpu.memory_space<hbm>>)
    %dma_wait3A_99 = arith.constant 0 : i32
    %dma_wait3A_100 = tpu.memref_slice %arg3[%add3A_90, %dma_wait3A_99] : memref<8192x1024xf32, #tpu.memory_space<hbm>> -> memref<32x1024xf32, #tpu.memory_space<hbm>>
    %dma_wait3A_101 = arith.constant 0 : i32
    %dma_wait3A_102 = tpu.memref_slice %arg3[%add3A_90, %dma_wait3A_101] : memref<8192x1024xf32, #tpu.memory_space<hbm>> -> memref<32x1024xf32, #tpu.memory_space<hbm>>
    tpu.wait_dma2 semaphore(%arg14 : memref<!tpu.dma_semaphore, #tpu.memory_space<semaphore_mem>>) src(%arg10 : memref<32x1024xf32, #tpu.memory_space<vmem>>) dst(%dma_wait3A_102 : memref<32x1024xf32, #tpu.memory_space<hbm>>)
    return
  }
}

</mosaic_0001>

<sc_bundles>
// kernel: kernel.3.cloned.1.call-start
scs
__scs_entry_jumppad:
0x0: {  	(pc) =	sbr.rel $0x88, $3  }
0x1: {  	(tag) =	ssettag $0x0;
	lr =	simm.s32 $0x1  }
0x2: {  	[smem:$0x3FA0] =	sst lr;
	_ =	strace $0xD0000000  }
0x3: {  	_ = 	snop  }
0x4: {  	_ = 	snop  }
0x5: {  	_ = 	snop  }
0x6: {  	_ = 	snop  }
0x7: {  	_ = 	snop  }
__scs_overlays_trampoline_lowered:
0x8: {  	[smem:$0x3FAF] =	sst s0  }
0x9: {  	[smem:$0x3FB0] =	sst s1  }
0xa: {  	[smem:$0x3FB1] =	sst s2  }
0xb: {  	[smem:$0x3FB2] =	sst s3  }
0xc: {  	[smem:$0x3FB3] =	sst s4  }
0xd: {  	[smem:$0x3FB4] =	sst s5  }
0xe: {  	[smem:$0x3FB5] =	sst s6  }
0xf: {  	[smem:$0x3FB6] =	sst s7  }
0x10: {  	[smem:$0x3FB7] =	sst s8  }
0x11: {  	[smem:$0x3FB8] =	sst s9;
	s0 =	simm.s32 @!p0 $0x0  }
0x12: {  	s1 =	sld [smem:$0x3F9E];
	s0 =	simm.s32 @p0 $0x1  }
0x13: {  	[smem:$0x3FB9] =	sst s0;
	s0 =	simm.s32 @!p1 $0x0  }
0x14: {  	s2 =	sld [smem:$0x3F9D];
	s0 =	simm.s32 @p1 $0x1  }
0x15: {  	[smem:$0x3FBA] =	sst s0;
	s0 =	simm.s32 @!p2 $0x0  }
0x16: {  	s3 =	sld [smem:$0x3FDB];
	s0 =	simm.s32 @p2 $0x1  }
0x17: {  	s4 =	simm.s32 $0x1BF5;
	[smem:$0x3FBC] =	sst s0  }
0x18: {  	s0 =	sld [smem:$0x3F9F];
	_ =	swait.ge [sflag:s4], $0x0  }
0x19: {  	s7 =	sld [smem:$0x3FA0]  }
0x1a: {  	s8 =	sadd.s32 $0xFFFFE003, lr  }
0x1b: {  	s9 =	sadd.s32 $0xFFFFFEF7, lr;
	s5 =	simm.s32 $0xFFFFFFFF;
	p2 =	slt.u32 s8, $0xFFFFF086  }
0x1c: {  	p1 =	slt.u32 s9, $0xF7A;
	s5 =	simm.s32 @!p2 $0x0  }
0x1d: {  	s5 =	simm.s32 @p1 $0x1;
	p0 =	seq.s32 s7, s2  }
0x1e: {  	s7 =	smul.u32 @!p0 $0xF7A, s2;
	p2 =	seq.s32 @!p0 s5, $0x0  }
0x1f: {  	s9 =	smul.u32 $0xF7A, s1;
	s8 =	simm.s32 @!p0 $0x1BF5;
	p2 =	por !p2, p0  }
0x20: {  	[sflag:s8] =	ssyncset.s32 @!p0 $0xFFFFF086;
	s6 =	sadd.s32 @!p0 s3, s7;
	s7 =	simm.s32 @!p0 $0x108  }
0x21: {  	s3 =	sadd.s32 s3, s9;
	s6 =	sadd.s32 @!p0 $0x88, s6;
	s7 =	simm.s32 @p2 $0x1082  }
0x22: {  	[simem:s7], [sflag:s8] =	dma.local @!p0 [hbm:s6], $0xF7A  }
0x23: {  	s9 =	sor.u32 $0xD0000000, s2;
	s6 =	simm.s32 $0x108;
	_ =	swait.ge @!p0 [sflag:s8], $0x0  }
0x24: {  	s3 =	sadd.s32 $0x88, s3;
	s6 =	simm.s32 @!p1 $0x1082;
	[sflag:s4] =	ssyncset.s32 $0xFFFFF086  }
0x25: {  	[simem:s6], [sflag:s4] =	dma.local [hbm:s3], $0xF7A  }
0x26: {  	[smem:$0x3FA0] =	sst s1;
	(tag) =	ssettag s2;
	_ =	strace s9  }
0x27: {  	s1 =	sld [smem:$0x3FB0]  }
0x28: {  	s2 =	sld [smem:$0x3FB1]  }
0x29: {  	s4 =	sld [smem:$0x3FB3]  }
0x2a: {  	p0 =	seq.s32 s5, $0x0;
	s5 =	sld [smem:$0x3FB4]  }
0x2b: {  	s6 =	sld [smem:$0x3FB5]  }
0x2c: {  	s7 =	sld [smem:$0x3FB6]  }
0x2d: {  	s3 =	simm.s32 $0x108;
	s8 =	sld [smem:$0x3FB7]  }
0x2e: {  	s3 =	simm.s32 @!p0 $0x1082;
	s9 =	sld [smem:$0x3FB8]  }
0x2f: {  	lr =	sadd.s32 s0, s3;
	s0 =	sld [smem:$0x3FAF]  }
0x30: {  	s3 =	sld [smem:$0x3FB2]  }
0x31: {  	[smem:$0x3FBB] =	sst s10  }
0x32: {  	s10 =	sld [smem:$0x3FB9];
	_ =	sdelay $0x3  }
0x33: {  	p0 =	seq.s32 s10, $0x1;
	s10 =	sld [smem:$0x3FBB];
	_ =	sdelay $0x3  }
0x34: {  	[smem:$0x3FBB] =	sst s10  }
0x35: {  	s10 =	sld [smem:$0x3FBA];
	_ =	sdelay $0x3  }
0x36: {  	p1 =	seq.s32 s10, $0x1;
	s10 =	sld [smem:$0x3FBB];
	_ =	sdelay $0x3  }
0x37: {  	[smem:$0x3FBB] =	sst s10  }
0x38: {  	s10 =	sld [smem:$0x3FBC]  }
0x39: {  	_ = 	snop;
	(pc) =	sbr.ind lr, $3  }
0x3a: {  	_ = 	snop  }
0x3b: {  	_ = 	snop  }
0x3c: {  	p2 =	seq.s32 s10, $0x1;
	s10 =	sld [smem:$0x3FBB]  }
0x3d: {  	_ =	shalt  }
0x3e: {  	_ =	shalt  }
0x3f: {  	_ =	shalt  }
0x40: {  	_ =	shalt  }
0x41: {  	_ =	shalt  }
0x42: {  	_ =	shalt  }
0x43: {  	_ =	shalt  }
0x44: {  	_ =	shalt  }
0x45: {  	_ =	shalt  }
0x46: {  	_ =	shalt  }
0x47: {  	_ =	shalt  }
0x48: {  	_ =	shalt  }
0x49: {  	_ =	shalt  }
0x4a: {  	_ =	shalt  }
0x4b: {  	_ =	shalt  }
0x4c: {  	_ =	shalt  }
0x4d: {  	_ =	shalt  }
0x4e: {  	_ =	shalt  }
0x4f: {  	_ =	shalt  }
0x50: {  	_ =	shalt  }
0x51: {  	_ =	shalt  }
0x52: {  	_ =	shalt  }
0x53: {  	_ =	shalt  }
0x54: {  	_ =	shalt  }
0x55: {  	_ =	shalt  }
0x56: {  	_ =	shalt  }
0x57: {  	_ =	shalt  }
0x58: {  	_ =	shalt  }
0x59: {  	_ =	shalt  }
0x5a: {  	_ =	shalt  }
0x5b: {  	_ =	shalt  }
0x5c: {  	_ =	shalt  }
0x5d: {  	_ =	shalt  }
0x5e: {  	_ =	shalt  }
0x5f: {  	_ =	shalt  }
0x60: {  	_ =	shalt  }
0x61: {  	_ =	shalt  }
0x62: {  	_ =	shalt  }
0x63: {  	_ =	shalt  }
0x64: {  	_ =	shalt  }
0x65: {  	_ =	shalt  }
0x66: {  	_ =	shalt  }
0x67: {  	_ =	shalt  }
0x68: {  	_ =	shalt  }
0x69: {  	_ =	shalt  }
0x6a: {  	_ =	shalt  }
0x6b: {  	_ =	shalt  }
0x6c: {  	_ =	shalt  }
0x6d: {  	_ =	shalt  }
0x6e: {  	_ =	shalt  }
0x6f: {  	_ =	shalt  }
0x70: {  	_ =	shalt  }
0x71: {  	_ =	shalt  }
0x72: {  	_ =	shalt  }
0x73: {  	_ =	shalt  }
0x74: {  	_ =	shalt  }
0x75: {  	_ =	shalt  }
0x76: {  	_ =	shalt  }
0x77: {  	_ =	shalt  }
0x78: {  	_ =	shalt  }
0x79: {  	_ =	shalt  }
0x7a: {  	_ =	shalt  }
0x7b: {  	_ =	shalt  }
0x7c: {  	_ =	shalt  }
0x7d: {  	_ =	shalt  }
0x7e: {  	_ =	shalt  }
0x7f: {  	_ =	shalt  }
0x80: {  	_ =	shalt  }
0x81: {  	_ =	shalt  }
0x82: {  	_ =	shalt  }
0x83: {  	_ =	shalt  }
0x84: {  	_ =	shalt  }
0x85: {  	_ =	shalt  }
0x86: {  	_ =	shalt  }
0x87: {  	_ =	shalt  }
.Lfunc_end0:
.L_simem_size_0:
called_computation_lowered:
.L_overlay_start_0:
0x88: {  	s1 =	sld [smem:$0x3FD9]  }
0x89: {  	s3 =	sld [smem:$0x3FFE];
	_ =	sdelay $0x1  }
0x8a: {  	s2 =	srdreg.scid  }
0x8b: {  	s0 =	sand.u32 $0x1, s2  }
0x8c: {  	s30 =	sshll.u32 s0, $0xA;
	s1 =	sadd.s32 s3, s1  }
0x8d: {  	s1 =	sadd.s32 s1, s30  }
0x8e: {  	[smem:$0x3FC7] =	sst s1  }
0x8f: {  	_ = 	snop  }
0x90: {  	s1 =	simm.s32 $0x0;
	s4 =	sld [smem:$0x3FC9]  }
0x91: {  	[smem:$0xF] =	sst s1  }
0x92: {  	s31 =	sld [smem:$0x3FD0];
	(tm) =	ssettm $0x1  }
0x93: {  	s5 =	sld [smem:$0x3FFB];
	_ =	sdelay $0x3  }
0x94: {  	_ =	strace s5  }
0x95: {  	s5 =	sld [smem:$0x3FFC];
	_ =	sdelay $0x3  }
0x96: {  	_ =	strace s5  }
0x97: {  	s5 =	sld [smem:$0x3FFD];
	_ =	sdelay $0x3  }
0x98: {  	_ =	strace s5  }
0x99: {  	_ =	strace $0x8FFFFFFF  }
0x9a: {  	s10 =	sld [smem:$0x3FDB];
	_ =	sdelay $0x2  }
0x9b: {  	s6 =	simm.s32 $_scs_section_size;
	s7 =	simm.s32 $_tile_overlayer_lowered  }
0x9c: {  	s11 =	simm.s32 $_size__tile_overlayer_lowered;
	s7 =	sshll.u32 s7, $0x1;
	s5 =	sadd.s32 s6, s10  }
0x9d: {  	s8 =	simm.s32 $0x1BFF;
	s6 =	sshll.u32 s11, $0x1;
	s7 =	sadd.s32 s7, s5  }
0x9e: {  	[timem:s1], [sflag:s8] =	dma.local [hbm:s7], s6  }
0x9f: {  	_ =	swait.ge [sflag:s8], s6  }
0xa0: {  	s6 =	ssub.s32 $0x0, s6;
	[sflag:s8] =	ssyncset.done $0x0  }
0xa1: {  	[sflag:s8] =	ssyncadd.s32 s6;
	_ =	sdelay $0x1  }
0xa2: {  	s12 =	simm.s32 $0x1B8B  }
0xa3: {  	_ =	swait.ge [sflag:s12], $0x1  }
0xa4: {  	[sflag:s12] =	ssyncset.done $0x0  }
0xa5: {  	s13 =	simm.s32 $0x1B8E;
	[sflag:s12] =	ssyncadd.s32 $0xFFFFFFFF  }
0xa6: {  	s14 =	simm.s32 $execute0_lowered;
	[smem:$0x3FD2] =	sst s13  }
0xa7: {  	s6 =	sshll.u32 s14, $0x1;
	_ =	strace $0x80000046;
	[dreg:$0x1] =	wrdreg $0xFFFFFFFF  }
0xa8: {  	s15 =	simm.s32 $_size_execute0_lowered;
	s5 =	sadd.s32 s5, s6;
	[dreg:$0x0] =	wrdreg $0x0  }
0xa9: {  	s6 =	sshll.u32 s15, $0x1;
	[dreg:$0x2] =	wrdreg s5  }
0xaa: {  	[dreg:$0x3] =	wrdreg s6  }
0xab: {  	[dreg:$0x4] =	wrdreg $0xC0  }
0xac: {  	_ =	task [dreg:s1], $0x5FFFF  }
0xad: {  	[dreg:$0x1] =	wrdreg $0xFFFFFFFF  }
0xae: {  	[dreg:$0x0] =	wrdreg $0x60  }
0xaf: {  	s18 =	simm.s32 $0xA;
	[dreg:$0x2] =	wrdreg s4  }
0xb0: {  	s9 =	simm.s32 $0xB;
	s16 =	sshll.u32 s0, $0x13;
	[dreg:$0x3] =	wrdreg s31  }
0xb1: {  	s19 =	sor.u32 $0x8000, s16;
	s17 =	sadd.s32 s16, s4;
	[dreg:$0x4] =	wrdreg $0x9  }
0xb2: {  	s20 =	sadd.s32 s19, s4;
	s10 =	simm.s32 $0x8000;
	_ =	task.clear_ibuf [dreg:s1], $0x5FFFF  }
0xb3: {  	[spmem:s1], [sflag:s18] =	dma.local [hbm:s17], $0x8000  }
0xb4: {  	[spmem:s10], [sflag:s9] =	dma.local [hbm:s20], $0x8000  }
0xb5: {  	_ =	swait.ge [sflag:s18], $0x8000  }
0xb6: {  	[sflag:s18] =	ssyncset.done $0x0  }
0xb7: {  	[sflag:s18] =	ssyncadd.s32 $0xFFFF8000  }
0xb8: {  	s21 =	sadd.s32 s16, s31;
	s11 =	simm.s32 $0xC  }
0xb9: {  	[hbm:s21], [sflag:s11] =	dma.local [spmem:s1], $0x8000  }
0xba: {  	_ =	swait.ge [sflag:s11], $0x8000  }
0xbb: {  	[sflag:s11] =	ssyncset.done $0x0  }
0xbc: {  	s22 =	sor.u32 $0x10000, s16;
	[sflag:s11] =	ssyncadd.s32 $0xFFFF8000  }
0xbd: {  	s12 =	sadd.s32 s22, s4  }
0xbe: {  	[spmem:s1], [sflag:s18] =	dma.local [hbm:s12], $0x8000  }
0xbf: {  	_ =	swait.ge [sflag:s9], $0x8000  }
0xc0: {  	[sflag:s9] =	ssyncset.done $0x0  }
0xc1: {  	[sflag:s9] =	ssyncadd.s32 $0xFFFF8000  }
0xc2: {  	s23 =	simm.s32 $0xD;
	s6 =	sadd.s32 s19, s31  }
0xc3: {  	[hbm:s6], [sflag:s23] =	dma.local [spmem:s10], $0x8000  }
0xc4: {  	_ =	swait.ge [sflag:s23], $0x8000  }
0xc5: {  	[sflag:s23] =	ssyncset.done $0x0  }
0xc6: {  	s24 =	sor.u32 $0x18000, s16;
	[sflag:s23] =	ssyncadd.s32 $0xFFFF8000  }
0xc7: {  	s13 =	sadd.s32 s24, s4  }
0xc8: {  	[spmem:s10], [sflag:s9] =	dma.local [hbm:s13], $0x8000  }
0xc9: {  	_ =	swait.ge [sflag:s18], $0x8000  }
0xca: {  	[sflag:s18] =	ssyncset.done $0x0  }
0xcb: {  	[sflag:s18] =	ssyncadd.s32 $0xFFFF8000  }
0xcc: {  	s8 =	sadd.s32 s22, s31  }
0xcd: {  	[hbm:s8], [sflag:s11] =	dma.local [spmem:s1], $0x8000  }
0xce: {  	_ =	swait.ge [sflag:s11], $0x8000  }
0xcf: {  	[sflag:s11] =	ssyncset.done $0x0  }
0xd0: {  	s25 =	sor.u32 $0x20000, s16;
	[sflag:s11] =	ssyncadd.s32 $0xFFFF8000  }
0xd1: {  	s26 =	sadd.s32 s25, s4  }
0xd2: {  	[spmem:s1], [sflag:s18] =	dma.local [hbm:s26], $0x8000  }
0xd3: {  	_ =	swait.ge [sflag:s9], $0x8000  }
0xd4: {  	[sflag:s9] =	ssyncset.done $0x0  }
0xd5: {  	[sflag:s9] =	ssyncadd.s32 $0xFFFF8000  }
0xd6: {  	s6 =	sadd.s32 s24, s31  }
0xd7: {  	[hbm:s6], [sflag:s23] =	dma.local [spmem:s10], $0x8000  }
0xd8: {  	_ =	swait.ge [sflag:s23], $0x8000  }
0xd9: {  	[sflag:s23] =	ssyncset.done $0x0  }
0xda: {  	s5 =	sor.u32 $0x28000, s16;
	[sflag:s23] =	ssyncadd.s32 $0xFFFF8000  }
0xdb: {  	s4 =	sadd.s32 s5, s4  }
0xdc: {  	[spmem:s10], [sflag:s9] =	dma.local [hbm:s4], $0x8000  }
0xdd: {  	_ =	swait.ge [sflag:s18], $0x8000  }
0xde: {  	[sflag:s18] =	ssyncset.done $0x0  }
0xdf: {  	[sflag:s18] =	ssyncadd.s32 $0xFFFF8000  }
0xe0: {  	s28 =	sadd.s32 s25, s31  }
0xe1: {  	[hbm:s28], [sflag:s11] =	dma.local [spmem:s1], $0x8000  }
0xe2: {  	_ =	swait.ge [sflag:s9], $0x8000  }
0xe3: {  	[sflag:s9] =	ssyncset.done $0x0  }
0xe4: {  	[sflag:s9] =	ssyncadd.s32 $0xFFFF8000  }
0xe5: {  	s3 =	sadd.s32 s5, s31  }
0xe6: {  	[hbm:s3], [sflag:s23] =	dma.local [spmem:s10], $0x8000  }
0xe7: {  	_ =	swait.ge [sflag:s11], $0x8000  }
0xe8: {  	[sflag:s11] =	ssyncset.done $0x0  }
0xe9: {  	[sflag:s11] =	ssyncadd.s32 $0xFFFF8000;
	_ =	sdelay $0x2  }
0xea: {  	_ =	swait.ge [sflag:s23], $0x8000  }
0xeb: {  	[sflag:s23] =	ssyncset.done $0x0  }
0xec: {  	[sflag:s23] =	ssyncadd.s32 $0xFFFF8000  }
0xed: {  	_ =	strace $0x90000046  }
0xee: {  	s29 =	simm.s32 $0x9;
	_ =	strace $0x80000048  }
0xef: {  	_ =	swait.ge [sflag:s29], $0x1  }
0xf0: {  	[sflag:s29] =	ssyncadd.s32 $0xFFFFFFFF  }
0xf1: {  	_ =	strace $0x90000048  }
0xf2: {  	_ =	sfence  }
0xf3: {  	s30 =	sld [smem:$0x0];
	_ =	sdelay $0x2  }
0xf4: {  	s31 =	sshll.u32 s2, $0xD;
	s2 =	sshrl.u32 s2, $0x2  }
0xf5: {  	s4 =	sand.u32 $0x4000, s31;
	s2 =	sadd.s32 s2, s30  }
0xf6: {  	s0 =	sor.u32 s4, s0;
	s2 =	sshll.u32 s2, $0x11  }
0xf7: {  	s0 =	sor.u32 s2, s0  }
0xf8: {  	s0 =	sadd.s32 $0x8F2B, s0  }
0xf9: {  	[sflag:s0] =	ssyncadd.remote.s32 $0x1  }
0xfa: {  	_ =	sfence.sel $0xFFFF  }
0xfb: {  	[dreg:$0x0] =	wrdreg $0xFFFFFFFF;
	(pc) =	sbr.abs _section_cstart, $3  }
0xfc: {  	[dreg:$0x1] =	wrdreg $0xFFFFFFFF  }
0xfd: {  	_ =	task.clear_ibuf [dreg:s1], $0x2FFFF;
	_ =	strace $0x9FFFFFFF  }
0xfe: {  	(tm) =	ssettm $0x7FFFFFFF  }
0xff: {  	_ =	shalt  }
tec
execute0_lowered:
.L_overlay_start_1:
0x0: {  	(tag) =	ssettag $0x1  }
0x1: {  	s1 =	srdreg.scid;
	s0 =	stileid.u32  }
0x2: {  	s16 =	rddreg [dreg:$0x0];
	s19 =	sand.u32 $0x1, s1;
	s3 =	smul.u32 $0x5000, s0  }
0x3: {  	s18 =	rddreg [dreg:$0x1];
	s2 =	simm.s32 $0x0;
	s4 =	sshll.u32 s19, $0x13  }
0x4: {  	[smem:$0x7FF] =	sst s2;
	s17 =	sor.u32 s3, s4  }
0x5: {  	s1 =	rddreg [dreg:$0x2];
	_ =	strace $0x80000047;
	s8 =	sadd.s32 $0x30000, s17  }
0x6: {  	s4 =	simm.s32 $0x8000;
	s12 =	sadd.s32 $0x31000, s17;
	s3 =	sadd.s32 s16, s8  }
0x7: {  	[tilespmem:s4], [sflag:$0x1] =	stream.linear.gather [hbm4b:s3+s2], $0x8000, $0x38;
	[tilespmem:$0x18000] =	vst v63  }
0x8: {  	s6 =	simm.s32 $0x10000;
	s7 =	simm.s32 $0x1;
	s5 =	sadd.s32 s16, s12  }
0x9: {  	[tilespmem:s6], [sflag:$0x2] =	stream.linear.gather [hbm4b:s5+s2], $0x8000, $0x38;
	[tilespmem:$0x18000] =	vst v63  }
0xa: {  	_ =	swait.ge [sflag:s7], $0x8000  }
0xb: {  	[sflag:s7] =	ssyncset.done $0x0  }
0xc: {  	s9 =	sadd.s32 s18, s8;
	s8 =	simm.s32 $0x3;
	[sflag:s7] =	ssyncadd.s32 $0xFFFF8000  }
0xd: {  	[hbm4b:s9+s2] =	stream.linear.scatter [tilespmem:s4], [sflag:$0x3], $0x8000, $0x38;
	[tilespmem:$0x18000] =	vst v63  }
0xe: {  	_ =	swait.ge [sflag:s8], $0x8000  }
0xf: {  	s15 =	sadd.s32 $0x32000, s17;
	[sflag:s8] =	ssyncset.done $0x0  }
0x10: {  	s11 =	simm.s32 $0x2;
	s10 =	sadd.s32 s16, s15;
	[sflag:s8] =	ssyncadd.s32 $0xFFFF8000  }
0x11: {  	[tilespmem:s4], [sflag:$0x1] =	stream.linear.gather [hbm4b:s10+s2], $0x8000, $0x38;
	[tilespmem:$0x18000] =	vst v63  }
0x12: {  	_ =	swait.ge [sflag:s11], $0x8000  }
0x13: {  	[sflag:s11] =	ssyncset.done $0x0  }
0x14: {  	s13 =	simm.s32 $0x4;
	s12 =	sadd.s32 s18, s12;
	[sflag:s11] =	ssyncadd.s32 $0xFFFF8000  }
0x15: {  	[hbm4b:s12+s2] =	stream.linear.scatter [tilespmem:s6], [sflag:$0x4], $0x8000, $0x38;
	[tilespmem:$0x18000] =	vst v63  }
0x16: {  	_ =	swait.ge [sflag:s13], $0x8000  }
0x17: {  	s20 =	sadd.s32 $0x33000, s17;
	[sflag:s13] =	ssyncset.done $0x0  }
0x18: {  	s14 =	sadd.s32 s16, s20;
	[sflag:s13] =	ssyncadd.s32 $0xFFFF8000  }
0x19: {  	[tilespmem:s6], [sflag:$0x2] =	stream.linear.gather [hbm4b:s14+s2], $0x8000, $0x38;
	[tilespmem:$0x18000] =	vst v63  }
0x1a: {  	_ =	swait.ge [sflag:s7], $0x8000  }
0x1b: {  	[sflag:s7] =	ssyncset.done $0x0  }
0x1c: {  	s15 =	sadd.s32 s18, s15;
	[sflag:s7] =	ssyncadd.s32 $0xFFFF8000  }
0x1d: {  	[hbm4b:s15+s2] =	stream.linear.scatter [tilespmem:s4], [sflag:$0x3], $0x8000, $0x38;
	[tilespmem:$0x18000] =	vst v63  }
0x1e: {  	_ =	swait.ge [sflag:s8], $0x8000  }
0x1f: {  	s21 =	sadd.s32 $0x34000, s17;
	[sflag:s8] =	ssyncset.done $0x0  }
0x20: {  	s16 =	sadd.s32 s16, s21;
	[sflag:s8] =	ssyncadd.s32 $0xFFFF8000  }
0x21: {  	[tilespmem:s4], [sflag:$0x1] =	stream.linear.gather [hbm4b:s16+s2], $0x8000, $0x38;
	[tilespmem:$0x18000] =	vst v63  }
0x22: {  	_ =	swait.ge [sflag:s11], $0x8000  }
0x23: {  	s19 =	ssub.s32 $0x2, s19;
	[sflag:s11] =	ssyncset.done $0x0  }
0x24: {  	s31 =	sshrl.u32 s19, $0x1;
	s17 =	sadd.s32 s18, s20;
	[sflag:s11] =	ssyncadd.s32 $0xFFFF8000  }
0x25: {  	[hbm4b:s17+s2] =	stream.linear.scatter [tilespmem:s6], [sflag:$0x4], $0x8000, $0x38;
	[tilespmem:$0x18000] =	vst v63  }
0x26: {  	s19 =	ssub.s32 s19, s31;
	_ =	swait.ge [sflag:s7], $0x8000  }
0x27: {  	s19 =	smax.u32 s19, $0x1;
	[sflag:s7] =	ssyncset.done $0x0  }
0x28: {  	s18 =	sadd.s32 s18, s21;
	p0 =	sne.s32 s19, $0x1;
	[sflag:s7] =	ssyncadd.s32 $0xFFFF8000  }
0x29: {  	[hbm4b:s18+s2] =	stream.linear.scatter [tilespmem:s4], [sflag:$0x3], $0x8000, $0x38;
	[tilespmem:$0x18000] =	vst v63  }
.Ltmp0:
0x2a: {  	_ =	swait.ge [sflag:s13], $0x8000;
	(pc) =	sbr.rel @!p0 .LBB2_2-.Ltmp0, $4  }
0x2b: {  	[sflag:s13] =	ssyncset.done $0x0  }
0x2c: {  	[sflag:s13] =	ssyncadd.s32 $0xFFFF8000  }
0x2d: {  	_ =	swait.ge [sflag:s8], $0x8000  }
0x2e: {  	s19 =	sadd.s32 $0xFFFFFFFF, s19;
	[sflag:s8] =	ssyncset.done $0x0  }
.LBB2_1:
0x2f: {  	p0 =	sne.s32 s19, $0x1;
	s19 =	sadd.s32 $0xFFFFFFFF, s19;
	[sflag:s8] =	ssyncadd.s32 $0xFFFF8000  }
0x30: {  	[tilespmem:s4], [sflag:$0x1] =	stream.linear.gather [hbm4b:s3+s2], $0x8000, $0x38;
	[tilespmem:$0x18000] =	vst v63  }
0x31: {  	_ = 	snop  }
0x32: {  	[tilespmem:s6], [sflag:$0x2] =	stream.linear.gather [hbm4b:s5+s2], $0x8000, $0x38;
	[tilespmem:$0x18000] =	vst v63  }
0x33: {  	_ =	swait.ge [sflag:s7], $0x8000  }
0x34: {  	[sflag:s7] =	ssyncset.done $0x0  }
0x35: {  	[sflag:s7] =	ssyncadd.s32 $0xFFFF8000  }
0x36: {  	[hbm4b:s9+s2] =	stream.linear.scatter [tilespmem:s4], [sflag:$0x3], $0x8000, $0x38;
	[tilespmem:$0x18000] =	vst v63  }
0x37: {  	_ =	swait.ge [sflag:s8], $0x8000  }
0x38: {  	[sflag:s8] =	ssyncset.done $0x0  }
0x39: {  	[sflag:s8] =	ssyncadd.s32 $0xFFFF8000  }
0x3a: {  	[tilespmem:s4], [sflag:$0x1] =	stream.linear.gather [hbm4b:s10+s2], $0x8000, $0x38;
	[tilespmem:$0x18000] =	vst v63  }
0x3b: {  	_ =	swait.ge [sflag:s11], $0x8000  }
0x3c: {  	[sflag:s11] =	ssyncset.done $0x0  }
0x3d: {  	[sflag:s11] =	ssyncadd.s32 $0xFFFF8000  }
0x3e: {  	[hbm4b:s12+s2] =	stream.linear.scatter [tilespmem:s6], [sflag:$0x4], $0x8000, $0x38;
	[tilespmem:$0x18000] =	vst v63  }
0x3f: {  	_ =	swait.ge [sflag:s13], $0x8000  }
0x40: {  	[sflag:s13] =	ssyncset.done $0x0  }
0x41: {  	[sflag:s13] =	ssyncadd.s32 $0xFFFF8000  }
0x42: {  	[tilespmem:s6], [sflag:$0x2] =	stream.linear.gather [hbm4b:s14+s2], $0x8000, $0x38;
	[tilespmem:$0x18000] =	vst v63  }
0x43: {  	_ =	swait.ge [sflag:s7], $0x8000  }
0x44: {  	[sflag:s7] =	ssyncset.done $0x0  }
0x45: {  	[sflag:s7] =	ssyncadd.s32 $0xFFFF8000  }
0x46: {  	[hbm4b:s15+s2] =	stream.linear.scatter [tilespmem:s4], [sflag:$0x3], $0x8000, $0x38;
	[tilespmem:$0x18000] =	vst v63  }
0x47: {  	_ =	swait.ge [sflag:s8], $0x8000  }
0x48: {  	[sflag:s8] =	ssyncset.done $0x0  }
0x49: {  	[sflag:s8] =	ssyncadd.s32 $0xFFFF8000  }
0x4a: {  	[tilespmem:s4], [sflag:$0x1] =	stream.linear.gather [hbm4b:s16+s2], $0x8000, $0x38;
	[tilespmem:$0x18000] =	vst v63  }
0x4b: {  	_ =	swait.ge [sflag:s11], $0x8000  }
0x4c: {  	[sflag:s11] =	ssyncset.done $0x0  }
0x4d: {  	[sflag:s11] =	ssyncadd.s32 $0xFFFF8000  }
0x4e: {  	[hbm4b:s17+s2] =	stream.linear.scatter [tilespmem:s6], [sflag:$0x4], $0x8000, $0x38;
	[tilespmem:$0x18000] =	vst v63  }
0x4f: {  	_ =	swait.ge [sflag:s7], $0x8000  }
0x50: {  	[sflag:s7] =	ssyncset.done $0x0  }
0x51: {  	[sflag:s7] =	ssyncadd.s32 $0xFFFF8000  }
0x52: {  	[hbm4b:s18+s2] =	stream.linear.scatter [tilespmem:s4], [sflag:$0x3], $0x8000, $0x38;
	[tilespmem:$0x18000] =	vst v63  }
.Ltmp1:
0x53: {  	_ =	swait.ge [sflag:s13], $0x8000;
	(pc) =	sbr.rel @p0 .LBB2_1-.Ltmp1, $4  }
0x54: {  	[sflag:s13] =	ssyncset.done $0x0  }
0x55: {  	[sflag:s13] =	ssyncadd.s32 $0xFFFF8000  }
0x56: {  	_ =	swait.ge [sflag:s8], $0x8000  }
0x57: {  	[sflag:s8] =	ssyncset.done $0x0  }
.LBB2_2:
0x58: {  	[sflag:s8] =	ssyncadd.s32 $0xFFFF8000  }
0x59: {  	_ =	sfence.sel $0x180000  }
0x5a: {  	[bflag:$0x0] =	sbarrier.arrive $0xFFFF  }
0x5b: {  	p0 =	sne.s32 s0, $0x0;
	_ =	strace $0x90000047  }
0x5c: {  	s0 =	sadd.s32 @!p0 $0x100000, s1;
	[bflag:$0x2] =	sbarrier.arrive $0xFFFF  }
0x5d: {  	[sflag:s0] =	ssyncadd.tile.s32 @!p0 $0x1;
	_ =	shalt  }
.Lfunc_end2:
_tile_overlayer_lowered:
.L_overlay_start_2:
0x5e: {  	(tag) =	ssettag $0x2  }
0x5f: {  	s0 =	rddreg [dreg:$0x0];
	s2 =	stileid.u32  }
0x60: {  	s1 =	rddreg [dreg:$0x1];
	p0 =	sne.s32 s2, $0x0  }
0x61: {  	s3 =	rddreg [dreg:$0x2];
	[bflag:$0x3] =	sbarrier.arrive $0xFFFF;
	s2 =	simm.s32 @!p0 $0x1C05  }
0x62: {  	[timem:s3], [sflag:s2] =	dma.local @!p0 [hbm:s0], s1  }
0x63: {  	s0 =	simm.s32 @!p0 $0x5  }
0x64: {  	_ =	swait.ge @!p0 [sflag:s0], s1  }
0x65: {  	s1 =	ssub.s32 @!p0 $0x0, s1;
	[sflag:s0] =	ssyncset.done @!p0 $0x0  }
0x66: {  	[sflag:s0] =	ssyncadd.s32 @!p0 s1  }
0x67: {  	[bflag:$0x3] =	sbarrier.arrive $0xFFFF  }
0x68: {  	_ =	shalt  }

</sc_bundles>
